<compile_context>
chip_gen: v7x
topology: tpu7x:2x2x1
jax: 0.10.2.dev20260603
libtpu: 0.0.44.dev20260713+nightly
codegen_flags: <defaults>
</compile_context>

<pallas_src>
import functools

import jax
import jax.numpy as jnp
from jax import lax
from jax.experimental import pallas as pl
from jax.experimental.pallas import tpu as pltpu
from jax.experimental.pallas import tpu_sc as plsc

_NC = 2
_NS = 16
_LANES = 16


@functools.lru_cache(maxsize=None)
def _make_rpe(S: int, T: int, D: int):
    CH = T // _NS
    RPT = S // (_NC * _NS)
    WL = S // 2
    WR = S - WL
    WIN = WL + RPT - 1
    assert T % _NS == 0 and S % (_NC * _NS) == 0 and D % _LANES == 0

    mesh = plsc.VectorSubcoreMesh(
        core_axis_name="c", subcore_axis_name="s",
        num_cores=_NC, num_subcores=_NS,
    )

    @functools.partial(
        pl.kernel,
        out_type=jax.ShapeDtypeStruct((S, S, D), jnp.float32),
        mesh=mesh,
        scratch_types=[
            pltpu.VMEM_SHARED((T, D), jnp.float32),
            pltpu.VMEM((CH, D), jnp.float32),
            pltpu.VMEM((CH, D), jnp.float32),
            pltpu.VMEM((WIN, D), jnp.float32),
            pltpu.SemaphoreType.DMA,
            pltpu.SemaphoreType.DMA,
            pltpu.SemaphoreType.DMA,
        ],
    )
    def rpe(table_hbm, out_hbm, rev_sp, buf_in, buf_out, win,
            sem_l, sem_r, sem_w):
        c = lax.axis_index("c")
        s = lax.axis_index("s")

        src_lo = T - (s + 1) * CH
        pltpu.sync_copy(table_hbm.at[pl.ds(src_lo, CH)], buf_in)

        def rev_row(r, carry):
            for k in range(D // _LANES):
                buf_out[CH - 1 - r, pl.ds(k * _LANES, _LANES)] = (
                    buf_in[r, pl.ds(k * _LANES, _LANES)]
                )
            return carry

        lax.fori_loop(0, CH, rev_row, 0)
        pltpu.sync_copy(buf_out, rev_sp.at[pl.ds(s * CH, CH)])
        plsc.subcore_barrier()

        wid = s * _NC + c
        o_min = T - S - (wid * RPT + RPT - 1)
        wfill = pltpu.async_copy(rev_sp.at[pl.ds(o_min, WIN)], win, sem_w)

        PRE = 2

        def issue_right(k):
            i = wid * RPT + k
            o = T - S - i
            pltpu.async_copy(
                rev_sp.at[pl.ds(o + WL, WR)],
                out_hbm.at[i, pl.ds(WL, WR)],
                sem_r,
            )

        for k in range(PRE):
            issue_right(k)
        wfill.wait()

        def out_row(k, carry):
            i = wid * RPT + k
            cp_l = pltpu.async_copy(
                win.at[pl.ds(RPT - 1 - k, WL)],
                out_hbm.at[i, pl.ds(0, WL)],
                sem_l,
            )

            @pl.when(k < RPT - PRE)
            def _():
                issue_right(k + PRE)

            pltpu.make_async_copy(
                rev_sp.at[pl.ds(0, WR)], out_hbm.at[0, pl.ds(WL, WR)], sem_r
            ).wait()
            cp_l.wait()
            return carry

        lax.fori_loop(0, RPT, out_row, 0)

    return rpe


def kernel(x, relative_embeddings):
    S = x.shape[1]
    T, D = relative_embeddings.shape
    return _make_rpe(S, T, D)(relative_embeddings)

# --- scband reference (transcript-rebuilt; emitter-appended) ---
"""Pipeline reference for scband-relative-positional-encoding-46849503265341 (READ-ONLY COPY).

The authoritative reference and input builder live on the scoring server;
editing this copy changes nothing except your own understanding.
"""

import jax, jax.numpy as jnp
import numpy as np

MAX_LEN = 1024
D_MODEL = 128
BATCH = 4
SEQ_LEN = 1024


def setup_inputs(seed: int = 0) -> dict:
    key = jax.random.key(seed)
    k1, k2 = jax.random.split(key)
    x = jax.random.normal(k1, (BATCH, SEQ_LEN, D_MODEL), dtype=jnp.float32)
    # learned parameter: nn.Embedding(2*max_len, d_model) weight
    relative_embeddings = jax.random.normal(k2, (2 * MAX_LEN, D_MODEL), dtype=jnp.float32) * 0.02
    return {"x": x, "relative_embeddings": relative_embeddings}


def reference(x, relative_embeddings):
    seq_len = x.shape[1]
    positions = jnp.arange(seq_len)[:, None] - jnp.arange(seq_len)[None, :]
    positions = positions + (seq_len - 1)
    # embedding lookup -> gather rows of the table with an [S, S] index grid
    return jnp.take(relative_embeddings, positions, axis=0)

if __name__ == "__main__":
    import jax
    _d = setup_inputs()
    print(jax.jit(kernel)(*tuple(_d.values())))

</pallas_src>

<mosaic_0001>
#map = affine_map<(d0, d1) -> (0, 0)>
#map1 = affine_map<(d0, d1) -> (0, 0, 0)>
module attributes {stable_mosaic.version = 14 : i64} {
  func.func @rpe(%arg0: i32, %arg1: i32, %arg2: memref<2048x128xf32, #tpu.memory_space<hbm>>, %arg3: memref<1024x1024x128xf32, #tpu.memory_space<hbm>>, %arg4: memref<2048x128xf32, #tpu.memory_space<vmem_shared>>, %arg5: memref<128x128xf32, #tpu.memory_space<vmem>>, %arg6: memref<128x128xf32, #tpu.memory_space<vmem>>, %arg7: memref<543x128xf32, #tpu.memory_space<vmem>>, %arg8: memref<!tpu.dma_semaphore, #tpu.memory_space<semaphore_mem>>, %arg9: memref<!tpu.dma_semaphore, #tpu.memory_space<semaphore_mem>>, %arg10: memref<!tpu.dma_semaphore, #tpu.memory_space<semaphore_mem>>) attributes {dimension_semantics = [#tpu.dimension_semantics<core_parallel>, #tpu.dimension_semantics<subcore_parallel>], iteration_bounds = array<i64: 2, 16>, scalar_prefetch = 0 : i64, scratch_operands = 7 : i64, tpu.core_type = #tpu.core_type<sc_vector_subcore>, window_params = [{transform_indices = #map}, {transform_indices = #map1}]} {
    %add3A = arith.constant 1 : i32
    %add3A_0 = arith.addi %arg1, %add3A : i32
    %mul3A = arith.constant 128 : i32
    %mul3A_1 = arith.muli %add3A_0, %mul3A : i32
    %sub3A = arith.constant 2048 : i32
    %sub3A_2 = arith.subi %sub3A, %mul3A_1 : i32
    "tpu.region"() ({
      %run_scoped3A = tpu.sem_alloc : memref<!tpu.dma_semaphore, #tpu.memory_space<semaphore_mem>>
      %dma_start3A_61 = arith.constant 0 : i32
      %dma_start3A_62 = tpu.memref_slice %arg2[%sub3A_2, %dma_start3A_61] : memref<2048x128xf32, #tpu.memory_space<hbm>> -> memref<128x128xf32, #tpu.memory_space<hbm>>
      %dma_start3A_63 = arith.constant 0 : i32
      %dma_start3A_64 = tpu.memref_slice %arg2[%sub3A_2, %dma_start3A_63] : memref<2048x128xf32, #tpu.memory_space<hbm>> -> memref<128x128xf32, #tpu.memory_space<hbm>>
      tpu.enqueue_dma source(%dma_start3A_64 : memref<128x128xf32, #tpu.memory_space<hbm>>) target(%arg5 : memref<128x128xf32, #tpu.memory_space<vmem>>) target_semaphore(%run_scoped3A : memref<!tpu.dma_semaphore, #tpu.memory_space<semaphore_mem>>)
      %dma_wait3A_65 = arith.constant 0 : i32
      %dma_wait3A_66 = tpu.memref_slice %arg2[%sub3A_2, %dma_wait3A_65] : memref<2048x128xf32, #tpu.memory_space<hbm>> -> memref<128x128xf32, #tpu.memory_space<hbm>>
      %dma_wait3A_67 = arith.constant 0 : i32
      %dma_wait3A_68 = tpu.memref_slice %arg2[%sub3A_2, %dma_wait3A_67] : memref<2048x128xf32, #tpu.memory_space<hbm>> -> memref<128x128xf32, #tpu.memory_space<hbm>>
      tpu.wait_dma2 semaphore(%run_scoped3A : memref<!tpu.dma_semaphore, #tpu.memory_space<semaphore_mem>>) src(%dma_wait3A_68 : memref<128x128xf32, #tpu.memory_space<hbm>>) dst(%arg5 : memref<128x128xf32, #tpu.memory_space<vmem>>)
      tpu.yield
    }) : () -> ()
    %scan3A = arith.constant 0 : i32
    %scan3A_3 = arith.constant 0 : i32
    %scan3A_4 = arith.constant 128 : i32
    %scan3A_5 = arith.addi %scan3A_3, %scan3A_4 : i32
    %scan3A_6 = arith.constant 1 : i32
    scf.for %scan3A_61 = %scan3A_3 to %scan3A_5 step %scan3A_6  : i32 {
      %get3A = arith.index_cast %scan3A_61 : i32 to index
      %get3A_62 = arith.constant 0 : index
      %get3A_63 = tpu.vector_load %arg5[%get3A, %get3A_62] {strides = array<i32>} : memref<128x128xf32, #tpu.memory_space<vmem>>, vector<1x16xf32>,
      %get3A_64 = vector.shape_cast %get3A_63 : vector<1x16xf32> to vector<16xf32>
      %sub3A_65 = arith.constant 127 : i32
      %sub3A_66 = arith.subi %sub3A_65, %scan3A_61 : i32
      %swap3A = arith.index_cast %sub3A_66 : i32 to index
      %swap3A_67 = arith.constant 0 : index
      %swap3A_68 = tpu.vector_load %arg6[%swap3A, %swap3A_67] {strides = array<i32>} : memref<128x128xf32, #tpu.memory_space<vmem>>, vector<1x16xf32>,
      %swap3A_69 = vector.shape_cast %swap3A_68 : vector<1x16xf32> to vector<16xf32>
      %swap3A_70 = vector.shape_cast %get3A_64 : vector<16xf32> to vector<1x16xf32>
      tpu.vector_store %arg6[%swap3A, %swap3A_67], %swap3A_70 {strides = array<i32>} : memref<128x128xf32, #tpu.memory_space<vmem>>, vector<1x16xf32>,
      %get3A_71 = arith.index_cast %scan3A_61 : i32 to index
      %get3A_72 = arith.constant 16 : index
      %get3A_73 = tpu.vector_load %arg5[%get3A_71, %get3A_72] {strides = array<i32>} : memref<128x128xf32, #tpu.memory_space<vmem>>, vector<1x16xf32>,
      %get3A_74 = vector.shape_cast %get3A_73 : vector<1x16xf32> to vector<16xf32>
      %sub3A_75 = arith.constant 127 : i32
      %sub3A_76 = arith.subi %sub3A_75, %scan3A_61 : i32
      %swap3A_77 = arith.index_cast %sub3A_76 : i32 to index
      %swap3A_78 = arith.constant 16 : index
      %swap3A_79 = tpu.vector_load %arg6[%swap3A_77, %swap3A_78] {strides = array<i32>} : memref<128x128xf32, #tpu.memory_space<vmem>>, vector<1x16xf32>,
      %swap3A_80 = vector.shape_cast %swap3A_79 : vector<1x16xf32> to vector<16xf32>
      %swap3A_81 = vector.shape_cast %get3A_74 : vector<16xf32> to vector<1x16xf32>
      tpu.vector_store %arg6[%swap3A_77, %swap3A_78], %swap3A_81 {strides = array<i32>} : memref<128x128xf32, #tpu.memory_space<vmem>>, vector<1x16xf32>,
      %get3A_82 = arith.index_cast %scan3A_61 : i32 to index
      %get3A_83 = arith.constant 32 : index
      %get3A_84 = tpu.vector_load %arg5[%get3A_82, %get3A_83] {strides = array<i32>} : memref<128x128xf32, #tpu.memory_space<vmem>>, vector<1x16xf32>,
      %get3A_85 = vector.shape_cast %get3A_84 : vector<1x16xf32> to vector<16xf32>
      %sub3A_86 = arith.constant 127 : i32
      %sub3A_87 = arith.subi %sub3A_86, %scan3A_61 : i32
      %swap3A_88 = arith.index_cast %sub3A_87 : i32 to index
      %swap3A_89 = arith.constant 32 : index
      %swap3A_90 = tpu.vector_load %arg6[%swap3A_88, %swap3A_89] {strides = array<i32>} : memref<128x128xf32, #tpu.memory_space<vmem>>, vector<1x16xf32>,
      %swap3A_91 = vector.shape_cast %swap3A_90 : vector<1x16xf32> to vector<16xf32>
      %swap3A_92 = vector.shape_cast %get3A_85 : vector<16xf32> to vector<1x16xf32>
      tpu.vector_store %arg6[%swap3A_88, %swap3A_89], %swap3A_92 {strides = array<i32>} : memref<128x128xf32, #tpu.memory_space<vmem>>, vector<1x16xf32>,
      %get3A_93 = arith.index_cast %scan3A_61 : i32 to index
      %get3A_94 = arith.constant 48 : index
      %get3A_95 = tpu.vector_load %arg5[%get3A_93, %get3A_94] {strides = array<i32>} : memref<128x128xf32, #tpu.memory_space<vmem>>, vector<1x16xf32>,
      %get3A_96 = vector.shape_cast %get3A_95 : vector<1x16xf32> to vector<16xf32>
      %sub3A_97 = arith.constant 127 : i32
      %sub3A_98 = arith.subi %sub3A_97, %scan3A_61 : i32
      %swap3A_99 = arith.index_cast %sub3A_98 : i32 to index
      %swap3A_100 = arith.constant 48 : index
      %swap3A_101 = tpu.vector_load %arg6[%swap3A_99, %swap3A_100] {strides = array<i32>} : memref<128x128xf32, #tpu.memory_space<vmem>>, vector<1x16xf32>,
      %swap3A_102 = vector.shape_cast %swap3A_101 : vector<1x16xf32> to vector<16xf32>
      %swap3A_103 = vector.shape_cast %get3A_96 : vector<16xf32> to vector<1x16xf32>
      tpu.vector_store %arg6[%swap3A_99, %swap3A_100], %swap3A_103 {strides = array<i32>} : memref<128x128xf32, #tpu.memory_space<vmem>>, vector<1x16xf32>,
      %get3A_104 = arith.index_cast %scan3A_61 : i32 to index
      %get3A_105 = arith.constant 64 : index
      %get3A_106 = tpu.vector_load %arg5[%get3A_104, %get3A_105] {strides = array<i32>} : memref<128x128xf32, #tpu.memory_space<vmem>>, vector<1x16xf32>,
      %get3A_107 = vector.shape_cast %get3A_106 : vector<1x16xf32> to vector<16xf32>
      %sub3A_108 = arith.constant 127 : i32
      %sub3A_109 = arith.subi %sub3A_108, %scan3A_61 : i32
      %swap3A_110 = arith.index_cast %sub3A_109 : i32 to index
      %swap3A_111 = arith.constant 64 : index
      %swap3A_112 = tpu.vector_load %arg6[%swap3A_110, %swap3A_111] {strides = array<i32>} : memref<128x128xf32, #tpu.memory_space<vmem>>, vector<1x16xf32>,
      %swap3A_113 = vector.shape_cast %swap3A_112 : vector<1x16xf32> to vector<16xf32>
      %swap3A_114 = vector.shape_cast %get3A_107 : vector<16xf32> to vector<1x16xf32>
      tpu.vector_store %arg6[%swap3A_110, %swap3A_111], %swap3A_114 {strides = array<i32>} : memref<128x128xf32, #tpu.memory_space<vmem>>, vector<1x16xf32>,
      %get3A_115 = arith.index_cast %scan3A_61 : i32 to index
      %get3A_116 = arith.constant 80 : index
      %get3A_117 = tpu.vector_load %arg5[%get3A_115, %get3A_116] {strides = array<i32>} : memref<128x128xf32, #tpu.memory_space<vmem>>, vector<1x16xf32>,
      %get3A_118 = vector.shape_cast %get3A_117 : vector<1x16xf32> to vector<16xf32>
      %sub3A_119 = arith.constant 127 : i32
      %sub3A_120 = arith.subi %sub3A_119, %scan3A_61 : i32
      %swap3A_121 = arith.index_cast %sub3A_120 : i32 to index
      %swap3A_122 = arith.constant 80 : index
      %swap3A_123 = tpu.vector_load %arg6[%swap3A_121, %swap3A_122] {strides = array<i32>} : memref<128x128xf32, #tpu.memory_space<vmem>>, vector<1x16xf32>,
      %swap3A_124 = vector.shape_cast %swap3A_123 : vector<1x16xf32> to vector<16xf32>
      %swap3A_125 = vector.shape_cast %get3A_118 : vector<16xf32> to vector<1x16xf32>
      tpu.vector_store %arg6[%swap3A_121, %swap3A_122], %swap3A_125 {strides = array<i32>} : memref<128x128xf32, #tpu.memory_space<vmem>>, vector<1x16xf32>,
      %get3A_126 = arith.index_cast %scan3A_61 : i32 to index
      %get3A_127 = arith.constant 96 : index
      %get3A_128 = tpu.vector_load %arg5[%get3A_126, %get3A_127] {strides = array<i32>} : memref<128x128xf32, #tpu.memory_space<vmem>>, vector<1x16xf32>,
      %get3A_129 = vector.shape_cast %get3A_128 : vector<1x16xf32> to vector<16xf32>
      %sub3A_130 = arith.constant 127 : i32
      %sub3A_131 = arith.subi %sub3A_130, %scan3A_61 : i32
      %swap3A_132 = arith.index_cast %sub3A_131 : i32 to index
      %swap3A_133 = arith.constant 96 : index
      %swap3A_134 = tpu.vector_load %arg6[%swap3A_132, %swap3A_133] {strides = array<i32>} : memref<128x128xf32, #tpu.memory_space<vmem>>, vector<1x16xf32>,
      %swap3A_135 = vector.shape_cast %swap3A_134 : vector<1x16xf32> to vector<16xf32>
      %swap3A_136 = vector.shape_cast %get3A_129 : vector<16xf32> to vector<1x16xf32>
      tpu.vector_store %arg6[%swap3A_132, %swap3A_133], %swap3A_136 {strides = array<i32>} : memref<128x128xf32, #tpu.memory_space<vmem>>, vector<1x16xf32>,
      %get3A_137 = arith.index_cast %scan3A_61 : i32 to index
      %get3A_138 = arith.constant 112 : index
      %get3A_139 = tpu.vector_load %arg5[%get3A_137, %get3A_138] {strides = array<i32>} : memref<128x128xf32, #tpu.memory_space<vmem>>, vector<1x16xf32>,
      %get3A_140 = vector.shape_cast %get3A_139 : vector<1x16xf32> to vector<16xf32>
      %sub3A_141 = arith.constant 127 : i32
      %sub3A_142 = arith.subi %sub3A_141, %scan3A_61 : i32
      %swap3A_143 = arith.index_cast %sub3A_142 : i32 to index
      %swap3A_144 = arith.constant 112 : index
      %swap3A_145 = tpu.vector_load %arg6[%swap3A_143, %swap3A_144] {strides = array<i32>} : memref<128x128xf32, #tpu.memory_space<vmem>>, vector<1x16xf32>,
      %swap3A_146 = vector.shape_cast %swap3A_145 : vector<1x16xf32> to vector<16xf32>
      %swap3A_147 = vector.shape_cast %get3A_140 : vector<16xf32> to vector<1x16xf32>
      tpu.vector_store %arg6[%swap3A_143, %swap3A_144], %swap3A_147 {strides = array<i32>} : memref<128x128xf32, #tpu.memory_space<vmem>>, vector<1x16xf32>,
    }
    %scan3A_7 = arith.constant 128 : i32
    %mul3A_8 = arith.constant 128 : i32
    %mul3A_9 = arith.muli %arg1, %mul3A_8 : i32
    "tpu.region"() ({
      %run_scoped3A = tpu.sem_alloc : memref<!tpu.dma_semaphore, #tpu.memory_space<semaphore_mem>>
      %dma_start3A_61 = arith.constant 0 : i32
      %dma_start3A_62 = tpu.memref_slice %arg4[%mul3A_9, %dma_start3A_61] : memref<2048x128xf32, #tpu.memory_space<vmem_shared>> -> memref<128x128xf32, #tpu.memory_space<vmem_shared>>
      %dma_start3A_63 = arith.constant 0 : i32
      %dma_start3A_64 = tpu.memref_slice %arg4[%mul3A_9, %dma_start3A_63] : memref<2048x128xf32, #tpu.memory_space<vmem_shared>> -> memref<128x128xf32, #tpu.memory_space<vmem_shared>>
      tpu.enqueue_dma source(%arg6 : memref<128x128xf32, #tpu.memory_space<vmem>>) target(%dma_start3A_64 : memref<128x128xf32, #tpu.memory_space<vmem_shared>>) target_semaphore(%run_scoped3A : memref<!tpu.dma_semaphore, #tpu.memory_space<semaphore_mem>>)
      %dma_wait3A_65 = arith.constant 0 : i32
      %dma_wait3A_66 = tpu.memref_slice %arg4[%mul3A_9, %dma_wait3A_65] : memref<2048x128xf32, #tpu.memory_space<vmem_shared>> -> memref<128x128xf32, #tpu.memory_space<vmem_shared>>
      %dma_wait3A_67 = arith.constant 0 : i32
      %dma_wait3A_68 = tpu.memref_slice %arg4[%mul3A_9, %dma_wait3A_67] : memref<2048x128xf32, #tpu.memory_space<vmem_shared>> -> memref<128x128xf32, #tpu.memory_space<vmem_shared>>
      tpu.wait_dma2 semaphore(%run_scoped3A : memref<!tpu.dma_semaphore, #tpu.memory_space<semaphore_mem>>) src(%arg6 : memref<128x128xf32, #tpu.memory_space<vmem>>) dst(%dma_wait3A_68 : memref<128x128xf32, #tpu.memory_space<vmem_shared>>)
      tpu.yield
    }) : () -> ()
    %barrier3A = arith.constant 0 : index
    tpu.barrier barrier_id(%barrier3A)
    %mul3A_10 = arith.constant 2 : i32
    %mul3A_11 = arith.muli %arg1, %mul3A_10 : i32
    %add3A_12 = arith.addi %mul3A_11, %arg0 : i32
    %mul3A_13 = arith.constant 32 : i32
    %mul3A_14 = arith.muli %add3A_12, %mul3A_13 : i32
    %add3A_15 = arith.constant 32 : i32
    %add3A_16 = arith.addi %mul3A_14, %add3A_15 : i32
    %sub3A_17 = arith.constant 1 : i32
    %sub3A_18 = arith.subi %add3A_16, %sub3A_17 : i32
    %sub3A_19 = arith.constant 1024 : i32
    %sub3A_20 = arith.subi %sub3A_19, %sub3A_18 : i32
    %dma_start3A = arith.constant 0 : i32
    %dma_start3A_21 = tpu.memref_slice %arg4[%sub3A_20, %dma_start3A] : memref<2048x128xf32, #tpu.memory_space<vmem_shared>> -> memref<543x128xf32, #tpu.memory_space<vmem_shared>>
    %dma_start3A_22 = arith.constant 0 : i32
    %dma_start3A_23 = tpu.memref_slice %arg4[%sub3A_20, %dma_start3A_22] : memref<2048x128xf32, #tpu.memory_space<vmem_shared>> -> memref<543x128xf32, #tpu.memory_space<vmem_shared>>
    tpu.enqueue_dma source(%dma_start3A_23 : memref<543x128xf32, #tpu.memory_space<vmem_shared>>) target(%arg7 : memref<543x128xf32, #tpu.memory_space<vmem>>) target_semaphore(%arg10 : memref<!tpu.dma_semaphore, #tpu.memory_space<semaphore_mem>>)
    %mul3A_24 = arith.constant 32 : i32
    %mul3A_25 = arith.muli %add3A_12, %mul3A_24 : i32
    %add3A_26 = arith.constant 0 : i32
    %add3A_27 = arith.addi %mul3A_25, %add3A_26 : i32
    %sub3A_28 = arith.constant 1024 : i32
    %sub3A_29 = arith.subi %sub3A_28, %add3A_27 : i32
    %add3A_30 = arith.constant 512 : i32
    %add3A_31 = arith.addi %sub3A_29, %add3A_30 : i32
    %dma_start3A_32 = arith.constant 512 : i32
    %dma_start3A_33 = arith.constant 0 : i32
    %dma_start3A_34 = tpu.memref_slice %arg3[%add3A_27, %dma_start3A_32, %dma_start3A_33] : memref<1024x1024x128xf32, #tpu.memory_space<hbm>> -> memref<1x512x128xf32, #tpu.memory_space<hbm>>
    %dma_start3A_35 = tpu.memref_squeeze %dma_start3A_34 : memref<1x512x128xf32, #tpu.memory_space<hbm>> -> memref<512x128xf32, #tpu.memory_space<hbm>>
    %dma_start3A_36 = arith.constant 0 : i32
    %dma_start3A_37 = tpu.memref_slice %arg4[%add3A_31, %dma_start3A_36] : memref<2048x128xf32, #tpu.memory_space<vmem_shared>> -> memref<512x128xf32, #tpu.memory_space<vmem_shared>>
    tpu.enqueue_dma source(%dma_start3A_37 : memref<512x128xf32, #tpu.memory_space<vmem_shared>>) target(%dma_start3A_35 : memref<512x128xf32, #tpu.memory_space<hbm>>) target_semaphore(%arg9 : memref<!tpu.dma_semaphore, #tpu.memory_space<semaphore_mem>>)
    %mul3A_38 = arith.constant 32 : i32
    %mul3A_39 = arith.muli %add3A_12, %mul3A_38 : i32
    %add3A_40 = arith.constant 1 : i32
    %add3A_41 = arith.addi %mul3A_39, %add3A_40 : i32
    %sub3A_42 = arith.constant 1024 : i32
    %sub3A_43 = arith.subi %sub3A_42, %add3A_41 : i32
    %add3A_44 = arith.constant 512 : i32
    %add3A_45 = arith.addi %sub3A_43, %add3A_44 : i32
    %dma_start3A_46 = arith.constant 512 : i32
    %dma_start3A_47 = arith.constant 0 : i32
    %dma_start3A_48 = tpu.memref_slice %arg3[%add3A_41, %dma_start3A_46, %dma_start3A_47] : memref<1024x1024x128xf32, #tpu.memory_space<hbm>> -> memref<1x512x128xf32, #tpu.memory_space<hbm>>
    %dma_start3A_49 = tpu.memref_squeeze %dma_start3A_48 : memref<1x512x128xf32, #tpu.memory_space<hbm>> -> memref<512x128xf32, #tpu.memory_space<hbm>>
    %dma_start3A_50 = arith.constant 0 : i32
    %dma_start3A_51 = tpu.memref_slice %arg4[%add3A_45, %dma_start3A_50] : memref<2048x128xf32, #tpu.memory_space<vmem_shared>> -> memref<512x128xf32, #tpu.memory_space<vmem_shared>>
    tpu.enqueue_dma source(%dma_start3A_51 : memref<512x128xf32, #tpu.memory_space<vmem_shared>>) target(%dma_start3A_49 : memref<512x128xf32, #tpu.memory_space<hbm>>) target_semaphore(%arg9 : memref<!tpu.dma_semaphore, #tpu.memory_space<semaphore_mem>>)
    %dma_wait3A = arith.constant 0 : i32
    %dma_wait3A_52 = tpu.memref_slice %arg4[%sub3A_20, %dma_wait3A] : memref<2048x128xf32, #tpu.memory_space<vmem_shared>> -> memref<543x128xf32, #tpu.memory_space<vmem_shared>>
    %dma_wait3A_53 = arith.constant 0 : i32
    %dma_wait3A_54 = tpu.memref_slice %arg4[%sub3A_20, %dma_wait3A_53] : memref<2048x128xf32, #tpu.memory_space<vmem_shared>> -> memref<543x128xf32, #tpu.memory_space<vmem_shared>>
    tpu.wait_dma2 semaphore(%arg10 : memref<!tpu.dma_semaphore, #tpu.memory_space<semaphore_mem>>) src(%dma_wait3A_54 : memref<543x128xf32, #tpu.memory_space<vmem_shared>>) dst(%arg7 : memref<543x128xf32, #tpu.memory_space<vmem>>)
    %scan3A_55 = arith.constant 0 : i32
    %scan3A_56 = arith.constant 0 : i32
    %scan3A_57 = arith.constant 32 : i32
    %scan3A_58 = arith.addi %scan3A_56, %scan3A_57 : i32
    %scan3A_59 = arith.constant 1 : i32
    scf.for %scan3A_61 = %scan3A_56 to %scan3A_58 step %scan3A_59  : i32 {
      %mul3A_62 = arith.constant 32 : i32
      %mul3A_63 = arith.muli %add3A_12, %mul3A_62 : i32
      %add3A_64 = arith.addi %mul3A_63, %scan3A_61 : i32
      %sub3A_65 = arith.constant 31 : i32
      %sub3A_66 = arith.subi %sub3A_65, %scan3A_61 : i32
      %dma_start3A_67 = arith.constant 0 : i32
      %dma_start3A_68 = tpu.memref_slice %arg7[%sub3A_66, %dma_start3A_67] : memref<543x128xf32, #tpu.memory_space<vmem>> -> memref<512x128xf32, #tpu.memory_space<vmem>>
      %dma_start3A_69 = arith.constant 0 : i32
      %dma_start3A_70 = arith.constant 0 : i32
      %dma_start3A_71 = tpu.memref_slice %arg3[%add3A_64, %dma_start3A_69, %dma_start3A_70] : memref<1024x1024x128xf32, #tpu.memory_space<hbm>> -> memref<1x512x128xf32, #tpu.memory_space<hbm>>
      %dma_start3A_72 = tpu.memref_squeeze %dma_start3A_71 : memref<1x512x128xf32, #tpu.memory_space<hbm>> -> memref<512x128xf32, #tpu.memory_space<hbm>>
      %dma_start3A_73 = arith.constant 0 : i32
      %dma_start3A_74 = arith.constant 0 : i32
      %dma_start3A_75 = tpu.memref_slice %arg3[%add3A_64, %dma_start3A_73, %dma_start3A_74] : memref<1024x1024x128xf32, #tpu.memory_space<hbm>> -> memref<1x512x128xf32, #tpu.memory_space<hbm>>
      %dma_start3A_76 = tpu.memref_squeeze %dma_start3A_75 : memref<1x512x128xf32, #tpu.memory_space<hbm>> -> memref<512x128xf32, #tpu.memory_space<hbm>>
      %dma_start3A_77 = arith.constant 0 : i32
      %dma_start3A_78 = tpu.memref_slice %arg7[%sub3A_66, %dma_start3A_77] : memref<543x128xf32, #tpu.memory_space<vmem>> -> memref<512x128xf32, #tpu.memory_space<vmem>>
      tpu.enqueue_dma source(%dma_start3A_78 : memref<512x128xf32, #tpu.memory_space<vmem>>) target(%dma_start3A_76 : memref<512x128xf32, #tpu.memory_space<hbm>>) target_semaphore(%arg8 : memref<!tpu.dma_semaphore, #tpu.memory_space<semaphore_mem>>)
      %lt3A = arith.constant 30 : i32
      %lt3A_79 = arith.cmpi slt, %scan3A_61, %lt3A : i32
      %convert_element_type3A = arith.extui %lt3A_79 : i1 to i32
      %cond3A = arith.constant 0 : i32
      %cond3A_80 = arith.cmpi ne, %convert_element_type3A, %cond3A : i32
      scf.if %cond3A_80 {
        %add3A_101 = arith.constant 2 : i32
        %add3A_102 = arith.addi %scan3A_61, %add3A_101 : i32
        %mul3A_103 = arith.constant 32 : i32
        %mul3A_104 = arith.muli %add3A_12, %mul3A_103 : i32
        %add3A_105 = arith.addi %mul3A_104, %add3A_102 : i32
        %sub3A_106 = arith.constant 1024 : i32
        %sub3A_107 = arith.subi %sub3A_106, %add3A_105 : i32
        %add3A_108 = arith.constant 512 : i32
        %add3A_109 = arith.addi %sub3A_107, %add3A_108 : i32
        %dma_start3A_110 = arith.constant 512 : i32
        %dma_start3A_111 = arith.constant 0 : i32
        %dma_start3A_112 = tpu.memref_slice %arg3[%add3A_105, %dma_start3A_110, %dma_start3A_111] : memref<1024x1024x128xf32, #tpu.memory_space<hbm>> -> memref<1x512x128xf32, #tpu.memory_space<hbm>>
        %dma_start3A_113 = tpu.memref_squeeze %dma_start3A_112 : memref<1x512x128xf32, #tpu.memory_space<hbm>> -> memref<512x128xf32, #tpu.memory_space<hbm>>
        %dma_start3A_114 = arith.constant 0 : i32
        %dma_start3A_115 = tpu.memref_slice %arg4[%add3A_109, %dma_start3A_114] : memref<2048x128xf32, #tpu.memory_space<vmem_shared>> -> memref<512x128xf32, #tpu.memory_space<vmem_shared>>
        tpu.enqueue_dma source(%dma_start3A_115 : memref<512x128xf32, #tpu.memory_space<vmem_shared>>) target(%dma_start3A_113 : memref<512x128xf32, #tpu.memory_space<hbm>>) target_semaphore(%arg9 : memref<!tpu.dma_semaphore, #tpu.memory_space<semaphore_mem>>)
      } else {
      }
      %dma_wait3A_81 = arith.constant 0 : i32
      %dma_wait3A_82 = arith.constant 512 : i32
      %dma_wait3A_83 = arith.constant 0 : i32
      %dma_wait3A_84 = tpu.memref_slice %arg3[%dma_wait3A_81, %dma_wait3A_82, %dma_wait3A_83] : memref<1024x1024x128xf32, #tpu.memory_space<hbm>> -> memref<1x512x128xf32, #tpu.memory_space<hbm>>
      %dma_wait3A_85 = tpu.memref_squeeze %dma_wait3A_84 : memref<1x512x128xf32, #tpu.memory_space<hbm>> -> memref<512x128xf32, #tpu.memory_space<hbm>>
      %dma_wait3A_86 = arith.constant 0 : i32
      %dma_wait3A_87 = arith.constant 0 : i32
      %dma_wait3A_88 = tpu.memref_slice %arg4[%dma_wait3A_86, %dma_wait3A_87] : memref<2048x128xf32, #tpu.memory_space<vmem_shared>> -> memref<512x128xf32, #tpu.memory_space<vmem_shared>>
      tpu.wait_dma2 semaphore(%arg9 : memref<!tpu.dma_semaphore, #tpu.memory_space<semaphore_mem>>) src(%dma_wait3A_88 : memref<512x128xf32, #tpu.memory_space<vmem_shared>>) dst(%dma_wait3A_85 : memref<512x128xf32, #tpu.memory_space<hbm>>)
      %dma_wait3A_89 = arith.constant 0 : i32
      %dma_wait3A_90 = tpu.memref_slice %arg7[%sub3A_66, %dma_wait3A_89] : memref<543x128xf32, #tpu.memory_space<vmem>> -> memref<512x128xf32, #tpu.memory_space<vmem>>
      %dma_wait3A_91 = arith.constant 0 : i32
      %dma_wait3A_92 = arith.constant 0 : i32
      %dma_wait3A_93 = tpu.memref_slice %arg3[%add3A_64, %dma_wait3A_91, %dma_wait3A_92] : memref<1024x1024x128xf32, #tpu.memory_space<hbm>> -> memref<1x512x128xf32, #tpu.memory_space<hbm>>
      %dma_wait3A_94 = tpu.memref_squeeze %dma_wait3A_93 : memref<1x512x128xf32, #tpu.memory_space<hbm>> -> memref<512x128xf32, #tpu.memory_space<hbm>>
      %dma_wait3A_95 = arith.constant 0 : i32
      %dma_wait3A_96 = arith.constant 0 : i32
      %dma_wait3A_97 = tpu.memref_slice %arg3[%add3A_64, %dma_wait3A_95, %dma_wait3A_96] : memref<1024x1024x128xf32, #tpu.memory_space<hbm>> -> memref<1x512x128xf32, #tpu.memory_space<hbm>>
      %dma_wait3A_98 = tpu.memref_squeeze %dma_wait3A_97 : memref<1x512x128xf32, #tpu.memory_space<hbm>> -> memref<512x128xf32, #tpu.memory_space<hbm>>
      %dma_wait3A_99 = arith.constant 0 : i32
      %dma_wait3A_100 = tpu.memref_slice %arg7[%sub3A_66, %dma_wait3A_99] : memref<543x128xf32, #tpu.memory_space<vmem>> -> memref<512x128xf32, #tpu.memory_space<vmem>>
      tpu.wait_dma2 semaphore(%arg8 : memref<!tpu.dma_semaphore, #tpu.memory_space<semaphore_mem>>) src(%dma_wait3A_100 : memref<512x128xf32, #tpu.memory_space<vmem>>) dst(%dma_wait3A_98 : memref<512x128xf32, #tpu.memory_space<hbm>>)
    }
    %scan3A_60 = arith.constant 32 : i32
    return
  }
}

</mosaic_0001>

<sc_bundles>
// kernel: kernel.3.cloned.1.call-start
scs
__scs_entry_jumppad:
0x0: {  	(pc) =	sbr.rel $0x88, $3  }
0x1: {  	(tag) =	ssettag $0x0;
	lr =	simm.s32 $0x1  }
0x2: {  	[smem:$0x3FA0] =	sst lr;
	_ =	strace $0xD0000000  }
0x3: {  	_ = 	snop  }
0x4: {  	_ = 	snop  }
0x5: {  	_ = 	snop  }
0x6: {  	_ = 	snop  }
0x7: {  	_ = 	snop  }
__scs_overlays_trampoline_lowered:
0x8: {  	[smem:$0x3FAF] =	sst s0  }
0x9: {  	[smem:$0x3FB0] =	sst s1  }
0xa: {  	[smem:$0x3FB1] =	sst s2  }
0xb: {  	[smem:$0x3FB2] =	sst s3  }
0xc: {  	[smem:$0x3FB3] =	sst s4  }
0xd: {  	[smem:$0x3FB4] =	sst s5  }
0xe: {  	[smem:$0x3FB5] =	sst s6  }
0xf: {  	[smem:$0x3FB6] =	sst s7  }
0x10: {  	[smem:$0x3FB7] =	sst s8  }
0x11: {  	[smem:$0x3FB8] =	sst s9;
	s0 =	simm.s32 @!p0 $0x0  }
0x12: {  	s1 =	sld [smem:$0x3F9E];
	s0 =	simm.s32 @p0 $0x1  }
0x13: {  	[smem:$0x3FB9] =	sst s0;
	s0 =	simm.s32 @!p1 $0x0  }
0x14: {  	s2 =	sld [smem:$0x3F9D];
	s0 =	simm.s32 @p1 $0x1  }
0x15: {  	[smem:$0x3FBA] =	sst s0;
	s0 =	simm.s32 @!p2 $0x0  }
0x16: {  	s3 =	sld [smem:$0x3FDB];
	s0 =	simm.s32 @p2 $0x1  }
0x17: {  	s4 =	simm.s32 $0x1BF5;
	[smem:$0x3FBC] =	sst s0  }
0x18: {  	s0 =	sld [smem:$0x3F9F];
	_ =	swait.ge [sflag:s4], $0x0  }
0x19: {  	s7 =	sld [smem:$0x3FA0]  }
0x1a: {  	s8 =	sadd.s32 $0xFFFFE003, lr  }
0x1b: {  	s9 =	sadd.s32 $0xFFFFFEF7, lr;
	s5 =	simm.s32 $0xFFFFFFFF;
	p2 =	slt.u32 s8, $0xFFFFF086  }
0x1c: {  	p1 =	slt.u32 s9, $0xF7A;
	s5 =	simm.s32 @!p2 $0x0  }
0x1d: {  	s5 =	simm.s32 @p1 $0x1;
	p0 =	seq.s32 s7, s2  }
0x1e: {  	s7 =	smul.u32 @!p0 $0xF7A, s2;
	p2 =	seq.s32 @!p0 s5, $0x0  }
0x1f: {  	s9 =	smul.u32 $0xF7A, s1;
	s8 =	simm.s32 @!p0 $0x1BF5;
	p2 =	por !p2, p0  }
0x20: {  	[sflag:s8] =	ssyncset.s32 @!p0 $0xFFFFF086;
	s6 =	sadd.s32 @!p0 s3, s7;
	s7 =	simm.s32 @!p0 $0x108  }
0x21: {  	s3 =	sadd.s32 s3, s9;
	s6 =	sadd.s32 @!p0 $0x88, s6;
	s7 =	simm.s32 @p2 $0x1082  }
0x22: {  	[simem:s7], [sflag:s8] =	dma.local @!p0 [hbm:s6], $0xF7A  }
0x23: {  	s9 =	sor.u32 $0xD0000000, s2;
	s6 =	simm.s32 $0x108;
	_ =	swait.ge @!p0 [sflag:s8], $0x0  }
0x24: {  	s3 =	sadd.s32 $0x88, s3;
	s6 =	simm.s32 @!p1 $0x1082;
	[sflag:s4] =	ssyncset.s32 $0xFFFFF086  }
0x25: {  	[simem:s6], [sflag:s4] =	dma.local [hbm:s3], $0xF7A  }
0x26: {  	[smem:$0x3FA0] =	sst s1;
	(tag) =	ssettag s2;
	_ =	strace s9  }
0x27: {  	s1 =	sld [smem:$0x3FB0]  }
0x28: {  	s2 =	sld [smem:$0x3FB1]  }
0x29: {  	s4 =	sld [smem:$0x3FB3]  }
0x2a: {  	p0 =	seq.s32 s5, $0x0;
	s5 =	sld [smem:$0x3FB4]  }
0x2b: {  	s6 =	sld [smem:$0x3FB5]  }
0x2c: {  	s7 =	sld [smem:$0x3FB6]  }
0x2d: {  	s3 =	simm.s32 $0x108;
	s8 =	sld [smem:$0x3FB7]  }
0x2e: {  	s3 =	simm.s32 @!p0 $0x1082;
	s9 =	sld [smem:$0x3FB8]  }
0x2f: {  	lr =	sadd.s32 s0, s3;
	s0 =	sld [smem:$0x3FAF]  }
0x30: {  	s3 =	sld [smem:$0x3FB2]  }
0x31: {  	[smem:$0x3FBB] =	sst s10  }
0x32: {  	s10 =	sld [smem:$0x3FB9];
	_ =	sdelay $0x3  }
0x33: {  	p0 =	seq.s32 s10, $0x1;
	s10 =	sld [smem:$0x3FBB];
	_ =	sdelay $0x3  }
0x34: {  	[smem:$0x3FBB] =	sst s10  }
0x35: {  	s10 =	sld [smem:$0x3FBA];
	_ =	sdelay $0x3  }
0x36: {  	p1 =	seq.s32 s10, $0x1;
	s10 =	sld [smem:$0x3FBB];
	_ =	sdelay $0x3  }
0x37: {  	[smem:$0x3FBB] =	sst s10  }
0x38: {  	s10 =	sld [smem:$0x3FBC]  }
0x39: {  	_ = 	snop;
	(pc) =	sbr.ind lr, $3  }
0x3a: {  	_ = 	snop  }
0x3b: {  	_ = 	snop  }
0x3c: {  	p2 =	seq.s32 s10, $0x1;
	s10 =	sld [smem:$0x3FBB]  }
0x3d: {  	_ =	shalt  }
0x3e: {  	_ =	shalt  }
0x3f: {  	_ =	shalt  }
0x40: {  	_ =	shalt  }
0x41: {  	_ =	shalt  }
0x42: {  	_ =	shalt  }
0x43: {  	_ =	shalt  }
0x44: {  	_ =	shalt  }
0x45: {  	_ =	shalt  }
0x46: {  	_ =	shalt  }
0x47: {  	_ =	shalt  }
0x48: {  	_ =	shalt  }
0x49: {  	_ =	shalt  }
0x4a: {  	_ =	shalt  }
0x4b: {  	_ =	shalt  }
0x4c: {  	_ =	shalt  }
0x4d: {  	_ =	shalt  }
0x4e: {  	_ =	shalt  }
0x4f: {  	_ =	shalt  }
0x50: {  	_ =	shalt  }
0x51: {  	_ =	shalt  }
0x52: {  	_ =	shalt  }
0x53: {  	_ =	shalt  }
0x54: {  	_ =	shalt  }
0x55: {  	_ =	shalt  }
0x56: {  	_ =	shalt  }
0x57: {  	_ =	shalt  }
0x58: {  	_ =	shalt  }
0x59: {  	_ =	shalt  }
0x5a: {  	_ =	shalt  }
0x5b: {  	_ =	shalt  }
0x5c: {  	_ =	shalt  }
0x5d: {  	_ =	shalt  }
0x5e: {  	_ =	shalt  }
0x5f: {  	_ =	shalt  }
0x60: {  	_ =	shalt  }
0x61: {  	_ =	shalt  }
0x62: {  	_ =	shalt  }
0x63: {  	_ =	shalt  }
0x64: {  	_ =	shalt  }
0x65: {  	_ =	shalt  }
0x66: {  	_ =	shalt  }
0x67: {  	_ =	shalt  }
0x68: {  	_ =	shalt  }
0x69: {  	_ =	shalt  }
0x6a: {  	_ =	shalt  }
0x6b: {  	_ =	shalt  }
0x6c: {  	_ =	shalt  }
0x6d: {  	_ =	shalt  }
0x6e: {  	_ =	shalt  }
0x6f: {  	_ =	shalt  }
0x70: {  	_ =	shalt  }
0x71: {  	_ =	shalt  }
0x72: {  	_ =	shalt  }
0x73: {  	_ =	shalt  }
0x74: {  	_ =	shalt  }
0x75: {  	_ =	shalt  }
0x76: {  	_ =	shalt  }
0x77: {  	_ =	shalt  }
0x78: {  	_ =	shalt  }
0x79: {  	_ =	shalt  }
0x7a: {  	_ =	shalt  }
0x7b: {  	_ =	shalt  }
0x7c: {  	_ =	shalt  }
0x7d: {  	_ =	shalt  }
0x7e: {  	_ =	shalt  }
0x7f: {  	_ =	shalt  }
0x80: {  	_ =	shalt  }
0x81: {  	_ =	shalt  }
0x82: {  	_ =	shalt  }
0x83: {  	_ =	shalt  }
0x84: {  	_ =	shalt  }
0x85: {  	_ =	shalt  }
0x86: {  	_ =	shalt  }
0x87: {  	_ =	shalt  }
.Lfunc_end0:
.L_simem_size_0:
called_computation_lowered:
.L_overlay_start_0:
0x88: {  	s2 =	sld [smem:$0x3FD9]  }
0x89: {  	s3 =	sld [smem:$0x3FFE];
	_ =	sdelay $0x1  }
0x8a: {  	s1 =	srdreg.scid  }
0x8b: {  	s0 =	sand.u32 $0x1, s1  }
0x8c: {  	s18 =	sshll.u32 s0, $0xA;
	s2 =	sadd.s32 s3, s2  }
0x8d: {  	s2 =	sadd.s32 s2, s18  }
0x8e: {  	[smem:$0x3FC7] =	sst s2  }
0x8f: {  	_ = 	snop  }
0x90: {  	s2 =	sld [smem:$0x3FC9]  }
0x91: {  	s19 =	sld [smem:$0x3FD0];
	(tm) =	ssettm $0x1  }
0x92: {  	s4 =	sld [smem:$0x3FFB];
	_ =	sdelay $0x3  }
0x93: {  	_ =	strace s4  }
0x94: {  	s4 =	sld [smem:$0x3FFC];
	_ =	sdelay $0x3  }
0x95: {  	_ =	strace s4  }
0x96: {  	s4 =	sld [smem:$0x3FFD];
	_ =	sdelay $0x3  }
0x97: {  	_ =	strace s4  }
0x98: {  	_ =	strace $0x8FFFFFFF  }
0x99: {  	s20 =	sld [smem:$0x3FDB];
	_ =	sdelay $0x1  }
0x9a: {  	s5 =	simm.s32 $_scs_section_size  }
0x9b: {  	s6 =	simm.s32 $_size__tile_overlayer_lowered;
	s7 =	simm.s32 $_tile_overlayer_lowered  }
0x9c: {  	s23 =	simm.s32 $0x1BFF;
	s22 =	sshll.u32 s7, $0x1;
	s4 =	sadd.s32 s5, s20  }
0x9d: {  	s8 =	simm.s32 $0x0;
	s21 =	sshll.u32 s6, $0x1;
	s6 =	sadd.s32 s22, s4  }
0x9e: {  	[timem:s8], [sflag:s23] =	dma.local [hbm:s6], s21  }
0x9f: {  	_ =	swait.ge [sflag:s23], s21  }
0xa0: {  	s5 =	ssub.s32 $0x0, s21;
	[sflag:s23] =	ssyncset.done $0x0  }
0xa1: {  	[sflag:s23] =	ssyncadd.s32 s5;
	_ =	sdelay $0x1  }
0xa2: {  	s24 =	simm.s32 $0x1B8B  }
0xa3: {  	_ =	swait.ge [sflag:s24], $0x1  }
0xa4: {  	[sflag:s24] =	ssyncset.done $0x0  }
0xa5: {  	s25 =	simm.s32 $0x1B8E;
	[sflag:s24] =	ssyncadd.s32 $0xFFFFFFFF  }
0xa6: {  	s26 =	simm.s32 $execute0_lowered;
	[smem:$0x3FD2] =	sst s25  }
0xa7: {  	s5 =	sshll.u32 s26, $0x1;
	_ =	strace $0x80000046;
	[dreg:$0x1] =	wrdreg $0xFFFFFFFF  }
0xa8: {  	s28 =	simm.s32 $_size_execute0_lowered;
	s4 =	sadd.s32 s4, s5;
	[dreg:$0x0] =	wrdreg $0x0  }
0xa9: {  	s5 =	sshll.u32 s28, $0x1;
	[dreg:$0x2] =	wrdreg s4  }
0xaa: {  	[dreg:$0x3] =	wrdreg s5  }
0xab: {  	[dreg:$0x4] =	wrdreg $0xC0  }
0xac: {  	_ =	task [dreg:s8], $0x5FFFF  }
0xad: {  	[dreg:$0x1] =	wrdreg $0xFFFFFFFF  }
0xae: {  	[dreg:$0x0] =	wrdreg $0x60  }
0xaf: {  	[dreg:$0x2] =	wrdreg s2  }
0xb0: {  	[dreg:$0x3] =	wrdreg s19  }
0xb1: {  	[dreg:$0x4] =	wrdreg $0x0  }
0xb2: {  	[dreg:$0x5] =	wrdreg $0x9  }
0xb3: {  	_ =	task.clear_ibuf [dreg:s8], $0x6FFFF;
	_ =	strace $0x90000046  }
0xb4: {  	s29 =	simm.s32 $0x9;
	_ =	strace $0x80000048  }
0xb5: {  	_ =	swait.ge [sflag:s29], $0x1  }
0xb6: {  	[sflag:s29] =	ssyncadd.s32 $0xFFFFFFFF  }
0xb7: {  	_ =	strace $0x90000048  }
0xb8: {  	_ =	sfence  }
0xb9: {  	s30 =	sld [smem:$0x0];
	_ =	sdelay $0x2  }
0xba: {  	s31 =	sshll.u32 s1, $0xD;
	s1 =	sshrl.u32 s1, $0x2  }
0xbb: {  	s3 =	sand.u32 $0x4000, s31;
	s1 =	sadd.s32 s1, s30  }
0xbc: {  	s0 =	sor.u32 s3, s0;
	s1 =	sshll.u32 s1, $0x11  }
0xbd: {  	s0 =	sor.u32 s1, s0  }
0xbe: {  	s0 =	sadd.s32 $0x8F2B, s0  }
0xbf: {  	[sflag:s0] =	ssyncadd.remote.s32 $0x1  }
0xc0: {  	_ =	sfence.sel $0xFFFF  }
0xc1: {  	[dreg:$0x0] =	wrdreg $0xFFFFFFFF;
	(pc) =	sbr.abs _section_cstart, $3  }
0xc2: {  	[dreg:$0x1] =	wrdreg $0xFFFFFFFF  }
0xc3: {  	_ =	task.clear_ibuf [dreg:s8], $0x2FFFF;
	_ =	strace $0x9FFFFFFF  }
0xc4: {  	(tm) =	ssettm $0x7FFFFFFF  }
0xc5: {  	_ =	shalt  }
tec
execute0_lowered:
.L_overlay_start_1:
0x0: {  	(tag) =	ssettag $0x1  }
0x1: {  	s4 =	rddreg [dreg:$0x0]  }
0x2: {  	s9 =	rddreg [dreg:$0x1]  }
0x3: {  	s10 =	rddreg [dreg:$0x2];
	s1 =	srdreg.scid  }
0x4: {  	s0 =	rddreg [dreg:$0x3];
	s2 =	simm.s32 $0x0;
	s18 =	simm.s32 $0x3  }
0x5: {  	s19 =	simm.s32 $0x2;
	s20 =	simm.s32 $0x1;
	s21 =	simm.s32 $0x0  }
0x6: {  	s11 =	sand.u32 $0x1, s1;
	[smem:$0x7FF] =	sst s2;
	s1 =	stileid.u32  }
0x7: {  	s5 =	ssub.s32 $0x2, s11;
	_ =	strace $0x80000047;
	s7 =	sshll.u32 s1, $0xE  }
0x8: {  	s3 =	sshll.u32 s1, $0x6;
	s12 =	sshll.u32 s11, $0x5;
	s14 =	sshll.u32 s11, $0xE  }
0x9: {  	s15 =	sshll.u32 s1, $0xF;
	s31 =	sshll.u32 s1, $0x14;
	s11 =	sshll.u32 s11, $0x13  }
0xa: {  	s6 =	sshrl.u32 s5, $0x1;
	s8 =	sshrl.u32 s7, $0x3;
	s25 =	sor.u32 s12, s3  }
0xb: {  	s30 =	sor.u32 s15, s14;
	s14 =	sadd.s32 s31, s9;
	s15 =	simm.s32 $0xC000  }
0xc: {  	s13 =	ssub.s32 s5, s6;
	s24 =	sxor.u32 $0x7800, s8;
	s26 =	sshll.u32 s25, $0x7  }
0xd: {  	s6 =	sshll.u32 s25, $0xE;
	s5 =	sadd.s32 s7, s10;
	s12 =	ssub.s32 $0xBFC00, s30  }
0xe: {  	s11 =	sadd.s32 s11, s14;
	s14 =	simm.s32 $0x8000;
	s4 =	sadd.s32 s4, s24  }
0xf: {  	s28 =	ssub.s32 s10, s26;
	s29 =	sadd.s32 s6, s9;
	s9 =	smax.u32 s13, $0x1  }
0x10: {  	s12 =	sshrl.u32 s12, $0x2;
	s11 =	sadd.s32 $0xA000, s11;
	s13 =	simm.s32 $0x4  }
0x11: {  	s6 =	sadd.s32 $0x1F080, s28;
	s7 =	sadd.s32 $0x2000, s29;
	s16 =	sadd.s32 $0x30000, s28  }
0x12: {  	s8 =	sadd.s32 $0x6000, s29;
	s17 =	sadd.s32 $0x2FF80, s28;
	s10 =	sadd.s32 s12, s10  }
0x13: {  	s12 =	simm.s32 $0x4000;
	s16 =	sshrl.u32 s16, $0x3;
	s17 =	sshrl.u32 s17, $0x3  }
.LBB2_1:
0x14: {  	[tilespmem:s12], [sflag:$0x4] =	stream.linear.gather [hbm4b:s4+s2], $0x4000, $0x38;
	[tilespmem:$0x1D000] =	vst v63  }
0x15: {  	_ =	swait.ge [sflag:s13], $0x4000  }
0x16: {  	[sflag:s13] =	ssyncset.done $0x0  }
0x17: {  	s22 =	simm.s32 $0x4040;
	[sflag:s13] =	ssyncadd.s32 $0xFFFFC000  }
0x18: {  	s23 =	simm.s32 $0xFFFFFE00;
	s24 =	simm.s32 $0x0;
	v0 =	vld [tilespmem:s22+$0xFFFFFFC0]  }
.LBB2_2:
0x19: {  	p0 =	sne.s32 s23, $0xFFFF0200;
	_ =	sdelay $0x2  }
0x1a: {  	s25 =	sshra.s32 s24, $0x2;
	s24 =	smov.u32 s23  }
0x1b: {  	[tilespmem:s25+$0xBF80] =	vst v0  }
0x1c: {  	v0 =	vld [tilespmem:s22+$0xFFFFFFD0];
	_ =	sdelay $0x4  }
0x1d: {  	[tilespmem:s25+$0xBF90] =	vst v0  }
0x1e: {  	v0 =	vld [tilespmem:s22+$0xFFFFFFE0];
	_ =	sdelay $0x4  }
0x1f: {  	[tilespmem:s25+$0xBFA0] =	vst v0  }
0x20: {  	v0 =	vld [tilespmem:s22+$0xFFFFFFF0];
	_ =	sdelay $0x4  }
0x21: {  	[tilespmem:s25+$0xBFB0] =	vst v0  }
0x22: {  	v0 =	vld [tilespmem:s22+$0x0];
	_ =	sdelay $0x4  }
0x23: {  	[tilespmem:s25+$0xBFC0] =	vst v0  }
0x24: {  	v0 =	vld [tilespmem:s22+$0x10];
	_ =	sdelay $0x4  }
0x25: {  	[tilespmem:s25+$0xBFD0] =	vst v0  }
0x26: {  	v0 =	vld [tilespmem:s22+$0x20];
	_ =	sdelay $0x4  }
0x27: {  	[tilespmem:s25+$0xBFE0] =	vst v0  }
0x28: {  	v0 =	vld [tilespmem:s22+$0x30];
	_ =	sdelay $0x1  }
.Ltmp0:
0x29: {  	(pc) =	sbr.rel @p0 .LBB2_2-.Ltmp0, $3  }
0x2a: {  	_ =	sdelay $0x1  }
0x2b: {  	s22 =	sadd.s32 $0x80, s22;
	[tilespmem:s25+$0xBFF0] =	vst v0  }
0x2c: {  	s23 =	sadd.s32 $0xFFFFFE00, s23;
	v0 =	vld [tilespmem:s22+$0xFFFFFFC0]  }
0x2d: {  	_ =	sdelay $0x2  }
0x2e: {  	s23 =	sshra.s32 s24, $0x2  }
0x2f: {  	[tilespmem:s23+$0xBF80] =	vst v0  }
0x30: {  	v0 =	vld [tilespmem:s22+$0xFFFFFFD0];
	_ =	sdelay $0x4  }
0x31: {  	[tilespmem:s23+$0xBF90] =	vst v0  }
0x32: {  	v0 =	vld [tilespmem:s22+$0xFFFFFFE0];
	_ =	sdelay $0x4  }
0x33: {  	[tilespmem:s23+$0xBFA0] =	vst v0  }
0x34: {  	v0 =	vld [tilespmem:s22+$0xFFFFFFF0];
	_ =	sdelay $0x4  }
0x35: {  	[tilespmem:s23+$0xBFB0] =	vst v0  }
0x36: {  	v0 =	vld [tilespmem:s22+$0x0];
	_ =	sdelay $0x4  }
0x37: {  	[tilespmem:s23+$0xBFC0] =	vst v0  }
0x38: {  	v0 =	vld [tilespmem:s22+$0x10];
	_ =	sdelay $0x4  }
0x39: {  	[tilespmem:s23+$0xBFD0] =	vst v0  }
0x3a: {  	v0 =	vld [tilespmem:s22+$0x20];
	_ =	sdelay $0x4  }
0x3b: {  	[tilespmem:s23+$0xBFE0] =	vst v0  }
0x3c: {  	v0 =	vld [tilespmem:s22+$0x30];
	_ =	sdelay $0x4  }
0x3d: {  	[tilespmem:s23+$0xBFF0] =	vst v0  }
0x3e: {  	[spmem:s5] =	stream.linear.scatter [tilespmem:s14], [sflag:$0x4], $0x4000, $0x38;
	[tilespmem:$0x1D000] =	vst v63  }
0x3f: {  	_ =	swait.ge [sflag:s13], $0x4000  }
0x40: {  	[sflag:s13] =	ssyncset.done $0x0  }
0x41: {  	[sflag:s13] =	ssyncadd.s32 $0xFFFFC000  }
0x42: {  	s22 =	sor.u32 $0x1C02, s3;
	[bflag:$0x0] =	sbarrier.arrive $0xFFFF  }
0x43: {  	[tilespmem:s15], [sflag:$0x3] =	stream.linear.gather [spmem:s6], $0x10F80, $0x38;
	[tilespmem:$0x1D000] =	vst v63  }
0x44: {  	[hbm:s7], [sflag:s22] =	dma.local [spmem:s16], $0x2000  }
0x45: {  	[hbm:s8], [sflag:s22] =	dma.local [spmem:s17], $0x2000  }
0x46: {  	_ =	swait.ge [sflag:s18], $0x10F80  }
0x47: {  	s30 =	simm.s32 $0xCF80;
	p0 =	por $0x0, $0x0;
	[sflag:s18] =	ssyncset.done $0x0  }
0x48: {  	s31 =	sadd.s32 $0xFFFF6000, s11;
	s23 =	sshrl.u32 @!p0 s10, $0x3;
	[sflag:s18] =	ssyncadd.s32 $0xFFFEF080  }
0x49: {  	[hbm4b:s31+s2] =	stream.linear.scatter [tilespmem:s30], [sflag:$0x1], $0x10000, $0x38;
	[tilespmem:$0x1D000] =	vst v63  }
0x4a: {  	[hbm:s11], [sflag:s22] =	dma.local @!p0 [spmem:s23], $0x2000  }
0x4b: {  	_ =	swait.ge [sflag:s19], $0x2000  }
0x4c: {  	[sflag:s19] =	ssyncset.done $0x0  }
0x4d: {  	s24 =	sadd.s32 $0x4000, s11;
	s25 =	simm.s32 $0xCF00;
	[sflag:s19] =	ssyncadd.s32 $0xFFFFE000  }
0x4e: {  	s26 =	smov.u32 s10;
	s23 =	simm.s32 $0x1;
	_ =	swait.ge [sflag:s20], $0x10000  }
.LBB2_4:
0x4f: {  	[sflag:s20] =	ssyncset.done $0x0  }
0x50: {  	s26 =	sadd.s32 $0xFFFFFF80, s26;
	s28 =	smov.u32 s23;
	s23 =	sadd.s32 $0x1, s23  }
0x51: {  	s29 =	sadd.s32 $0xFFFF6000, s24;
	p0 =	sgt.u32 s28, $0x1D;
	[sflag:s20] =	ssyncadd.s32 $0xFFFF0000  }
0x52: {  	[hbm4b:s29+s2] =	stream.linear.scatter [tilespmem:s25], [sflag:$0x1], $0x10000, $0x38;
	[tilespmem:$0x1D000] =	vst v63  }
0x53: {  	p1 =	sne.s32 s23, $0x20;
	s28 =	sshrl.u32 @!p0 s26, $0x3  }
0x54: {  	[hbm:s24], [sflag:s22] =	dma.local @!p0 [spmem:s28], $0x2000  }
.Ltmp1:
0x55: {  	_ = 	snop;
	(pc) =	sbr.rel @p1 .LBB2_4-.Ltmp1, $4  }
0x56: {  	_ =	swait.ge [sflag:s19], $0x2000  }
0x57: {  	[sflag:s19] =	ssyncset.done $0x0  }
0x58: {  	[sflag:s19] =	ssyncadd.s32 $0xFFFFE000  }
0x59: {  	s25 =	sadd.s32 $0xFFFFFF80, s25;
	s24 =	sadd.s32 $0x4000, s24;
	_ =	swait.ge [sflag:s20], $0x10000  }
0x5a: {  	s21 =	sadd.s32 $0x1, s21  }
0x5b: {  	p0 =	sne.s32 s21, s9  }
.Ltmp2:
0x5c: {  	_ = 	snop;
	(pc) =	sbr.rel @p0 .LBB2_1-.Ltmp2, $3  }
0x5d: {  	_ =	sdelay $0x1  }
0x5e: {  	[sflag:s20] =	ssyncset.done $0x0  }
0x5f: {  	[sflag:s20] =	ssyncadd.s32 $0xFFFF0000  }
0x60: {  	_ =	sfence.sel $0x180000  }
0x61: {  	[bflag:$0x0] =	sbarrier.arrive $0xFFFF  }
0x62: {  	p0 =	sne.s32 s1, $0x0;
	_ =	strace $0x90000047  }
0x63: {  	s0 =	sadd.s32 @!p0 $0x100000, s0;
	[bflag:$0x2] =	sbarrier.arrive $0xFFFF  }
0x64: {  	[sflag:s0] =	ssyncadd.tile.s32 @!p0 $0x1;
	_ =	shalt  }
.Lfunc_end2:
_tile_overlayer_lowered:
.L_overlay_start_2:
0x65: {  	(tag) =	ssettag $0x2  }
0x66: {  	s0 =	rddreg [dreg:$0x0];
	s2 =	stileid.u32  }
0x67: {  	s1 =	rddreg [dreg:$0x1];
	p0 =	sne.s32 s2, $0x0  }
0x68: {  	s3 =	rddreg [dreg:$0x2];
	[bflag:$0x3] =	sbarrier.arrive $0xFFFF;
	s2 =	simm.s32 @!p0 $0x1C04  }
0x69: {  	[timem:s3], [sflag:s2] =	dma.local @!p0 [hbm:s0], s1  }
0x6a: {  	s0 =	simm.s32 @!p0 $0x4  }
0x6b: {  	_ =	swait.ge @!p0 [sflag:s0], s1  }
0x6c: {  	s1 =	ssub.s32 @!p0 $0x0, s1;
	[sflag:s0] =	ssyncset.done @!p0 $0x0  }
0x6d: {  	[sflag:s0] =	ssyncadd.s32 @!p0 s1  }
0x6e: {  	[bflag:$0x3] =	sbarrier.arrive $0xFFFF  }
0x6f: {  	_ =	shalt  }

</sc_bundles>
